<compile_context>
chip_gen: v7x
topology: tpu7x:2x2x1
jax: 0.10.2.dev20260603
libtpu: 0.0.44.dev20260713+nightly
codegen_flags: <defaults>
</compile_context>

<pallas_src>
import functools

import jax
import jax.numpy as jnp
from jax import lax
from jax.experimental import pallas as pl
from jax.experimental.pallas import tpu as pltpu
from jax.experimental.pallas import tpu_sc as plsc

D = 1024
NC = 2
NS = 16
NW = NC * NS
C = 32


def _make_gather(total_rows):
    b_per_w = total_rows // NW
    nsteps = b_per_w // C
    nhalf = nsteps // 2
    mesh = plsc.VectorSubcoreMesh(core_axis_name="c", subcore_axis_name="s")

    @functools.partial(
        pl.kernel,
        mesh=mesh,
        out_type=jax.ShapeDtypeStruct((total_rows, D), jnp.float32),
        scratch_types=[
            pltpu.VMEM((b_per_w,), jnp.int32),
            pltpu.VMEM((C, D), jnp.float32),
            pltpu.VMEM((C, D), jnp.float32),
            pltpu.SemaphoreType.DMA,
            pltpu.SemaphoreType.DMA,
            pltpu.SemaphoreType.DMA,
            pltpu.SemaphoreType.DMA,
        ],
    )
    def gather_kernel(table_hbm, idx_hbm, out_hbm, idx_v, buf0, buf1,
                      g0, g1, o0, o1):
        bufs = (buf0, buf1)
        gsems = (g0, g1)
        osems = (o0, o1)
        wid = lax.axis_index("s") * NC + lax.axis_index("c")
        base = wid * b_per_w

        def g_copy(s, b):
            return pltpu.make_async_copy(
                table_hbm.at[idx_v.at[pl.ds(s * C, C)]], bufs[b], gsems[b])

        def o_copy(s, b):
            return pltpu.make_async_copy(
                bufs[b], out_hbm.at[pl.ds(base + s * C, C)], osems[b])

        pltpu.sync_copy(idx_hbm.at[pl.ds(base, C)], idx_v.at[pl.ds(0, C)])
        g_copy(0, 0).start()
        pltpu.sync_copy(idx_hbm.at[pl.ds(base + C, b_per_w - C)],
                        idx_v.at[pl.ds(C, b_per_w - C)])

        def body(i, carry):
            for j in range(2):
                s = 2 * i + j
                b = j

                @pl.when(s >= 1)
                def _(s=s, b=b):
                    o_copy(s - 1, 1 - b).wait()

                @pl.when(s <= nsteps - 2)
                def _(s=s, b=b):
                    g_copy(s + 1, 1 - b).start()

                g_copy(s, b).wait()
                o_copy(s, b).start()
            return carry

        lax.fori_loop(0, nhalf, body, 0)
        o_copy(nsteps - 1, (nsteps - 1) % 2).wait()

    return gather_kernel


def kernel(fpe, length, position_ids):
    bsz, seq = position_ids.shape
    idx = position_ids.reshape(-1).astype(jnp.int32)
    out = _make_gather(bsz * seq)(fpe, idx)
    return out.reshape(bsz, seq, fpe.shape[1])

# --- scband reference (transcript-rebuilt; emitter-appended) ---
"""Pipeline reference for scband-fixed-position-embedding-layer-76012331204833 (READ-ONLY COPY).

The authoritative reference and input builder live on the scoring server;
editing this copy changes nothing except your own understanding.
"""

import jax, jax.numpy as jnp
import numpy as np
import math

MAX_POS = 8192
EMBED = 1024
MIN_T = 1.0
MAX_T = 10000.0
BATCH = 4
SEQ = 8192


def create_fix_pos_embedding(seq_len, embed_len, min_timescale, max_timescale):
    position = jnp.arange(seq_len, dtype=jnp.float32)
    num_timescales = embed_len // 2
    log_timescale_increment = math.log(float(max_timescale) / float(min_timescale)) / (float(num_timescales) - 1)
    inv_timescales = min_timescale * jnp.exp(jnp.arange(num_timescales, dtype=jnp.float32) * -log_timescale_increment)
    scaled_time = position[:, None] * inv_timescales[None, :]
    signal = jnp.concatenate([jnp.sin(scaled_time), jnp.cos(scaled_time)], axis=1)
    signal = signal.reshape(seq_len, 2, num_timescales)
    signal = jnp.transpose(signal, (0, 2, 1))
    signal = signal.reshape(seq_len, 2 * num_timescales)
    signal = jnp.pad(signal, ((0, 0), (0, embed_len % 2)))
    return signal


def setup_inputs(seed: int = 0) -> dict:
    key = jax.random.key(seed)
    k1, _ = jax.random.split(key)
    fpe = create_fix_pos_embedding(MAX_POS, EMBED, MIN_T, MAX_T)
    position_ids = jax.random.randint(k1, (BATCH, SEQ), 0, MAX_POS, dtype=jnp.int64 if jax.config.jax_enable_x64 else jnp.int32)
    return {"fpe": fpe, "length": SEQ, "position_ids": position_ids}


def reference(fpe, length, position_ids):
    # position_ids path of FixedPositionEmbeddingLayer.forward:
    # torch.gather over broadcast [B, max_pos, E] with index [B, S, E]
    # is equivalent to a row gather of the table per position id.
    positional_embed = jnp.take(fpe, position_ids, axis=0)
    return positional_embed

if __name__ == "__main__":
    import jax
    _d = setup_inputs()
    print(jax.jit(kernel)(*tuple(_d.values())))

</pallas_src>

<mosaic_0001>
#map = affine_map<(d0, d1) -> (0, 0)>
#map1 = affine_map<(d0, d1) -> (0)>
module attributes {stable_mosaic.version = 14 : i64} {
  func.func @gather_kernel(%arg0: i32, %arg1: i32, %arg2: memref<8192x1024xf32, #tpu.memory_space<hbm>>, %arg3: memref<32768xi32, #tpu.memory_space<hbm>>, %arg4: memref<32768x1024xf32, #tpu.memory_space<hbm>>, %arg5: memref<1024xi32, #tpu.memory_space<vmem>>, %arg6: memref<32x1024xf32, #tpu.memory_space<vmem>>, %arg7: memref<32x1024xf32, #tpu.memory_space<vmem>>, %arg8: memref<!tpu.dma_semaphore, #tpu.memory_space<semaphore_mem>>, %arg9: memref<!tpu.dma_semaphore, #tpu.memory_space<semaphore_mem>>, %arg10: memref<!tpu.dma_semaphore, #tpu.memory_space<semaphore_mem>>, %arg11: memref<!tpu.dma_semaphore, #tpu.memory_space<semaphore_mem>>) attributes {dimension_semantics = [#tpu.dimension_semantics<core_parallel>, #tpu.dimension_semantics<subcore_parallel>], iteration_bounds = array<i64: 2, 16>, scalar_prefetch = 0 : i64, scratch_operands = 7 : i64, tpu.core_type = #tpu.core_type<sc_vector_subcore>, window_params = [{transform_indices = #map}, {transform_indices = #map1}, {transform_indices = #map}]} {
    %mul3A = arith.constant 2 : i32
    %mul3A_0 = arith.muli %arg1, %mul3A : i32
    %add3A = arith.addi %mul3A_0, %arg0 : i32
    %mul3A_1 = arith.constant 1024 : i32
    %mul3A_2 = arith.muli %add3A, %mul3A_1 : i32
    "tpu.region"() ({
      %run_scoped3A = tpu.sem_alloc : memref<!tpu.dma_semaphore, #tpu.memory_space<semaphore_mem>>
      %dma_start3A_19 = arith.constant 0 : i32
      %dma_start3A_20 = tpu.memref_slice %arg5[%dma_start3A_19] : memref<1024xi32, #tpu.memory_space<vmem>> -> memref<32xi32, #tpu.memory_space<vmem>>
      %dma_start3A_21 = tpu.memref_slice %arg3[%mul3A_2] : memref<32768xi32, #tpu.memory_space<hbm>> -> memref<32xi32, #tpu.memory_space<hbm>>
      %dma_start3A_22 = arith.constant 0 : i32
      %dma_start3A_23 = tpu.memref_slice %arg5[%dma_start3A_22] : memref<1024xi32, #tpu.memory_space<vmem>> -> memref<32xi32, #tpu.memory_space<vmem>>
      %dma_start3A_24 = tpu.memref_slice %arg3[%mul3A_2] : memref<32768xi32, #tpu.memory_space<hbm>> -> memref<32xi32, #tpu.memory_space<hbm>>
      tpu.enqueue_dma source(%dma_start3A_24 : memref<32xi32, #tpu.memory_space<hbm>>) target(%dma_start3A_23 : memref<32xi32, #tpu.memory_space<vmem>>) target_semaphore(%run_scoped3A : memref<!tpu.dma_semaphore, #tpu.memory_space<semaphore_mem>>)
      %dma_wait3A_25 = arith.constant 0 : i32
      %dma_wait3A_26 = tpu.memref_slice %arg5[%dma_wait3A_25] : memref<1024xi32, #tpu.memory_space<vmem>> -> memref<32xi32, #tpu.memory_space<vmem>>
      %dma_wait3A_27 = tpu.memref_slice %arg3[%mul3A_2] : memref<32768xi32, #tpu.memory_space<hbm>> -> memref<32xi32, #tpu.memory_space<hbm>>
      %dma_wait3A_28 = arith.constant 0 : i32
      %dma_wait3A_29 = tpu.memref_slice %arg5[%dma_wait3A_28] : memref<1024xi32, #tpu.memory_space<vmem>> -> memref<32xi32, #tpu.memory_space<vmem>>
      %dma_wait3A_30 = tpu.memref_slice %arg3[%mul3A_2] : memref<32768xi32, #tpu.memory_space<hbm>> -> memref<32xi32, #tpu.memory_space<hbm>>
      tpu.wait_dma2 semaphore(%run_scoped3A : memref<!tpu.dma_semaphore, #tpu.memory_space<semaphore_mem>>) src(%dma_wait3A_30 : memref<32xi32, #tpu.memory_space<hbm>>) dst(%dma_wait3A_29 : memref<32xi32, #tpu.memory_space<vmem>>)
      tpu.yield
    }) : () -> ()
    %dma_start3A = arith.constant 0 : i32
    %dma_start3A_3 = tpu.memref_slice %arg5[%dma_start3A] : memref<1024xi32, #tpu.memory_space<vmem>> -> memref<32xi32, #tpu.memory_space<vmem>>
    %dma_start3A_4 = arith.constant 0 : i32
    %dma_start3A_5 = arith.constant 0 : i32
    %dma_start3A_6 = tpu.memref_slice %arg2[%dma_start3A_4, %dma_start3A_5] : memref<8192x1024xf32, #tpu.memory_space<hbm>> -> memref<8192x1024xf32, #tpu.memory_space<hbm>>
    tpu.enqueue_indirect_dma source(%dma_start3A_6 : memref<8192x1024xf32, #tpu.memory_space<hbm>>) target(%arg6 : memref<32x1024xf32, #tpu.memory_space<vmem>>) offsets(%dma_start3A_3 : memref<32xi32, #tpu.memory_space<vmem>>) semaphore(%arg8 : memref<!tpu.dma_semaphore, #tpu.memory_space<semaphore_mem>>)
    %add3A_7 = arith.constant 32 : i32
    %add3A_8 = arith.addi %mul3A_2, %add3A_7 : i32
    "tpu.region"() ({
      %run_scoped3A = tpu.sem_alloc : memref<!tpu.dma_semaphore, #tpu.memory_space<semaphore_mem>>
      %dma_start3A_19 = arith.constant 32 : i32
      %dma_start3A_20 = tpu.memref_slice %arg5[%dma_start3A_19] : memref<1024xi32, #tpu.memory_space<vmem>> -> memref<992xi32, #tpu.memory_space<vmem>>
      %dma_start3A_21 = tpu.memref_slice %arg3[%add3A_8] : memref<32768xi32, #tpu.memory_space<hbm>> -> memref<992xi32, #tpu.memory_space<hbm>>
      %dma_start3A_22 = arith.constant 32 : i32
      %dma_start3A_23 = tpu.memref_slice %arg5[%dma_start3A_22] : memref<1024xi32, #tpu.memory_space<vmem>> -> memref<992xi32, #tpu.memory_space<vmem>>
      %dma_start3A_24 = tpu.memref_slice %arg3[%add3A_8] : memref<32768xi32, #tpu.memory_space<hbm>> -> memref<992xi32, #tpu.memory_space<hbm>>
      tpu.enqueue_dma source(%dma_start3A_24 : memref<992xi32, #tpu.memory_space<hbm>>) target(%dma_start3A_23 : memref<992xi32, #tpu.memory_space<vmem>>) target_semaphore(%run_scoped3A : memref<!tpu.dma_semaphore, #tpu.memory_space<semaphore_mem>>)
      %dma_wait3A_25 = arith.constant 32 : i32
      %dma_wait3A_26 = tpu.memref_slice %arg5[%dma_wait3A_25] : memref<1024xi32, #tpu.memory_space<vmem>> -> memref<992xi32, #tpu.memory_space<vmem>>
      %dma_wait3A_27 = tpu.memref_slice %arg3[%add3A_8] : memref<32768xi32, #tpu.memory_space<hbm>> -> memref<992xi32, #tpu.memory_space<hbm>>
      %dma_wait3A_28 = arith.constant 32 : i32
      %dma_wait3A_29 = tpu.memref_slice %arg5[%dma_wait3A_28] : memref<1024xi32, #tpu.memory_space<vmem>> -> memref<992xi32, #tpu.memory_space<vmem>>
      %dma_wait3A_30 = tpu.memref_slice %arg3[%add3A_8] : memref<32768xi32, #tpu.memory_space<hbm>> -> memref<992xi32, #tpu.memory_space<hbm>>
      tpu.wait_dma2 semaphore(%run_scoped3A : memref<!tpu.dma_semaphore, #tpu.memory_space<semaphore_mem>>) src(%dma_wait3A_30 : memref<992xi32, #tpu.memory_space<hbm>>) dst(%dma_wait3A_29 : memref<992xi32, #tpu.memory_space<vmem>>)
      tpu.yield
    }) : () -> ()
    %scan3A = arith.constant 0 : i32
    %scan3A_9 = arith.constant 0 : i32
    %scan3A_10 = arith.constant 16 : i32
    %scan3A_11 = arith.addi %scan3A_9, %scan3A_10 : i32
    %scan3A_12 = arith.constant 1 : i32
    scf.for %scan3A_19 = %scan3A_9 to %scan3A_11 step %scan3A_12  : i32 {
      %mul3A_20 = arith.constant 2 : i32
      %mul3A_21 = arith.muli %mul3A_20, %scan3A_19 : i32
      %add3A_22 = arith.constant 0 : i32
      %add3A_23 = arith.addi %mul3A_21, %add3A_22 : i32
      %ge3A = arith.constant 1 : i32
      %ge3A_24 = arith.cmpi sge, %add3A_23, %ge3A : i32
      %convert_element_type3A = arith.extui %ge3A_24 : i1 to i32
      %cond3A = arith.constant 0 : i32
      %cond3A_25 = arith.cmpi ne, %convert_element_type3A, %cond3A : i32
      scf.if %cond3A_25 {
        %sub3A = arith.constant 1 : i32
        %sub3A_70 = arith.subi %add3A_23, %sub3A : i32
        %mul3A_71 = arith.constant 32 : i32
        %mul3A_72 = arith.muli %sub3A_70, %mul3A_71 : i32
        %add3A_73 = arith.addi %mul3A_2, %mul3A_72 : i32
        %dma_wait3A_74 = arith.constant 0 : i32
        %dma_wait3A_75 = tpu.memref_slice %arg4[%add3A_73, %dma_wait3A_74] : memref<32768x1024xf32, #tpu.memory_space<hbm>> -> memref<32x1024xf32, #tpu.memory_space<hbm>>
        %dma_wait3A_76 = arith.constant 0 : i32
        %dma_wait3A_77 = tpu.memref_slice %arg4[%add3A_73, %dma_wait3A_76] : memref<32768x1024xf32, #tpu.memory_space<hbm>> -> memref<32x1024xf32, #tpu.memory_space<hbm>>
        tpu.wait_dma2 semaphore(%arg11 : memref<!tpu.dma_semaphore, #tpu.memory_space<semaphore_mem>>) src(%arg7 : memref<32x1024xf32, #tpu.memory_space<vmem>>) dst(%dma_wait3A_77 : memref<32x1024xf32, #tpu.memory_space<hbm>>)
      } else {
      }
      %le3A = arith.constant 30 : i32
      %le3A_26 = arith.cmpi sle, %add3A_23, %le3A : i32
      %convert_element_type3A_27 = arith.extui %le3A_26 : i1 to i32
      %cond3A_28 = arith.constant 0 : i32
      %cond3A_29 = arith.cmpi ne, %convert_element_type3A_27, %cond3A_28 : i32
      scf.if %cond3A_29 {
        %add3A_70 = arith.constant 1 : i32
        %add3A_71 = arith.addi %add3A_23, %add3A_70 : i32
        %mul3A_72 = arith.constant 32 : i32
        %mul3A_73 = arith.muli %add3A_71, %mul3A_72 : i32
        %dma_start3A_74 = tpu.memref_slice %arg5[%mul3A_73] : memref<1024xi32, #tpu.memory_space<vmem>> -> memref<32xi32, #tpu.memory_space<vmem>>
        %dma_start3A_75 = arith.constant 0 : i32
        %dma_start3A_76 = arith.constant 0 : i32
        %dma_start3A_77 = tpu.memref_slice %arg2[%dma_start3A_75, %dma_start3A_76] : memref<8192x1024xf32, #tpu.memory_space<hbm>> -> memref<8192x1024xf32, #tpu.memory_space<hbm>>
        tpu.enqueue_indirect_dma source(%dma_start3A_77 : memref<8192x1024xf32, #tpu.memory_space<hbm>>) target(%arg7 : memref<32x1024xf32, #tpu.memory_space<vmem>>) offsets(%dma_start3A_74 : memref<32xi32, #tpu.memory_space<vmem>>) semaphore(%arg9 : memref<!tpu.dma_semaphore, #tpu.memory_space<semaphore_mem>>)
      } else {
      }
      %mul3A_30 = arith.constant 32 : i32
      %mul3A_31 = arith.muli %add3A_23, %mul3A_30 : i32
      %dma_wait3A_32 = tpu.memref_slice %arg5[%mul3A_31] : memref<1024xi32, #tpu.memory_space<vmem>> -> memref<32xi32, #tpu.memory_space<vmem>>
      %dma_wait3A_33 = arith.constant 0 : i32
      %dma_wait3A_34 = arith.constant 0 : i32
      %dma_wait3A_35 = tpu.memref_slice %arg2[%dma_wait3A_33, %dma_wait3A_34] : memref<8192x1024xf32, #tpu.memory_space<hbm>> -> memref<8192x1024xf32, #tpu.memory_space<hbm>>
      tpu.wait_indirect_dma semaphore(%arg8 : memref<!tpu.dma_semaphore, #tpu.memory_space<semaphore_mem>>) src(%dma_wait3A_35 : memref<8192x1024xf32, #tpu.memory_space<hbm>>) dst(%arg6 : memref<32x1024xf32, #tpu.memory_space<vmem>>)
      %mul3A_36 = arith.constant 32 : i32
      %mul3A_37 = arith.muli %add3A_23, %mul3A_36 : i32
      %add3A_38 = arith.addi %mul3A_2, %mul3A_37 : i32
      %dma_start3A_39 = arith.constant 0 : i32
      %dma_start3A_40 = tpu.memref_slice %arg4[%add3A_38, %dma_start3A_39] : memref<32768x1024xf32, #tpu.memory_space<hbm>> -> memref<32x1024xf32, #tpu.memory_space<hbm>>
      %dma_start3A_41 = arith.constant 0 : i32
      %dma_start3A_42 = tpu.memref_slice %arg4[%add3A_38, %dma_start3A_41] : memref<32768x1024xf32, #tpu.memory_space<hbm>> -> memref<32x1024xf32, #tpu.memory_space<hbm>>
      tpu.enqueue_dma source(%arg6 : memref<32x1024xf32, #tpu.memory_space<vmem>>) target(%dma_start3A_42 : memref<32x1024xf32, #tpu.memory_space<hbm>>) target_semaphore(%arg10 : memref<!tpu.dma_semaphore, #tpu.memory_space<semaphore_mem>>)
      %mul3A_43 = arith.constant 2 : i32
      %mul3A_44 = arith.muli %mul3A_43, %scan3A_19 : i32
      %add3A_45 = arith.constant 1 : i32
      %add3A_46 = arith.addi %mul3A_44, %add3A_45 : i32
      %ge3A_47 = arith.constant 1 : i32
      %ge3A_48 = arith.cmpi sge, %add3A_46, %ge3A_47 : i32
      %convert_element_type3A_49 = arith.extui %ge3A_48 : i1 to i32
      %cond3A_50 = arith.constant 0 : i32
      %cond3A_51 = arith.cmpi ne, %convert_element_type3A_49, %cond3A_50 : i32
      scf.if %cond3A_51 {
        %sub3A = arith.constant 1 : i32
        %sub3A_70 = arith.subi %add3A_46, %sub3A : i32
        %mul3A_71 = arith.constant 32 : i32
        %mul3A_72 = arith.muli %sub3A_70, %mul3A_71 : i32
        %add3A_73 = arith.addi %mul3A_2, %mul3A_72 : i32
        %dma_wait3A_74 = arith.constant 0 : i32
        %dma_wait3A_75 = tpu.memref_slice %arg4[%add3A_73, %dma_wait3A_74] : memref<32768x1024xf32, #tpu.memory_space<hbm>> -> memref<32x1024xf32, #tpu.memory_space<hbm>>
        %dma_wait3A_76 = arith.constant 0 : i32
        %dma_wait3A_77 = tpu.memref_slice %arg4[%add3A_73, %dma_wait3A_76] : memref<32768x1024xf32, #tpu.memory_space<hbm>> -> memref<32x1024xf32, #tpu.memory_space<hbm>>
        tpu.wait_dma2 semaphore(%arg10 : memref<!tpu.dma_semaphore, #tpu.memory_space<semaphore_mem>>) src(%arg6 : memref<32x1024xf32, #tpu.memory_space<vmem>>) dst(%dma_wait3A_77 : memref<32x1024xf32, #tpu.memory_space<hbm>>)
      } else {
      }
      %le3A_52 = arith.constant 30 : i32
      %le3A_53 = arith.cmpi sle, %add3A_46, %le3A_52 : i32
      %convert_element_type3A_54 = arith.extui %le3A_53 : i1 to i32
      %cond3A_55 = arith.constant 0 : i32
      %cond3A_56 = arith.cmpi ne, %convert_element_type3A_54, %cond3A_55 : i32
      scf.if %cond3A_56 {
        %add3A_70 = arith.constant 1 : i32
        %add3A_71 = arith.addi %add3A_46, %add3A_70 : i32
        %mul3A_72 = arith.constant 32 : i32
        %mul3A_73 = arith.muli %add3A_71, %mul3A_72 : i32
        %dma_start3A_74 = tpu.memref_slice %arg5[%mul3A_73] : memref<1024xi32, #tpu.memory_space<vmem>> -> memref<32xi32, #tpu.memory_space<vmem>>
        %dma_start3A_75 = arith.constant 0 : i32
        %dma_start3A_76 = arith.constant 0 : i32
        %dma_start3A_77 = tpu.memref_slice %arg2[%dma_start3A_75, %dma_start3A_76] : memref<8192x1024xf32, #tpu.memory_space<hbm>> -> memref<8192x1024xf32, #tpu.memory_space<hbm>>
        tpu.enqueue_indirect_dma source(%dma_start3A_77 : memref<8192x1024xf32, #tpu.memory_space<hbm>>) target(%arg6 : memref<32x1024xf32, #tpu.memory_space<vmem>>) offsets(%dma_start3A_74 : memref<32xi32, #tpu.memory_space<vmem>>) semaphore(%arg8 : memref<!tpu.dma_semaphore, #tpu.memory_space<semaphore_mem>>)
      } else {
      }
      %mul3A_57 = arith.constant 32 : i32
      %mul3A_58 = arith.muli %add3A_46, %mul3A_57 : i32
      %dma_wait3A_59 = tpu.memref_slice %arg5[%mul3A_58] : memref<1024xi32, #tpu.memory_space<vmem>> -> memref<32xi32, #tpu.memory_space<vmem>>
      %dma_wait3A_60 = arith.constant 0 : i32
      %dma_wait3A_61 = arith.constant 0 : i32
      %dma_wait3A_62 = tpu.memref_slice %arg2[%dma_wait3A_60, %dma_wait3A_61] : memref<8192x1024xf32, #tpu.memory_space<hbm>> -> memref<8192x1024xf32, #tpu.memory_space<hbm>>
      tpu.wait_indirect_dma semaphore(%arg9 : memref<!tpu.dma_semaphore, #tpu.memory_space<semaphore_mem>>) src(%dma_wait3A_62 : memref<8192x1024xf32, #tpu.memory_space<hbm>>) dst(%arg7 : memref<32x1024xf32, #tpu.memory_space<vmem>>)
      %mul3A_63 = arith.constant 32 : i32
      %mul3A_64 = arith.muli %add3A_46, %mul3A_63 : i32
      %add3A_65 = arith.addi %mul3A_2, %mul3A_64 : i32
      %dma_start3A_66 = arith.constant 0 : i32
      %dma_start3A_67 = tpu.memref_slice %arg4[%add3A_65, %dma_start3A_66] : memref<32768x1024xf32, #tpu.memory_space<hbm>> -> memref<32x1024xf32, #tpu.memory_space<hbm>>
      %dma_start3A_68 = arith.constant 0 : i32
      %dma_start3A_69 = tpu.memref_slice %arg4[%add3A_65, %dma_start3A_68] : memref<32768x1024xf32, #tpu.memory_space<hbm>> -> memref<32x1024xf32, #tpu.memory_space<hbm>>
      tpu.enqueue_dma source(%arg7 : memref<32x1024xf32, #tpu.memory_space<vmem>>) target(%dma_start3A_69 : memref<32x1024xf32, #tpu.memory_space<hbm>>) target_semaphore(%arg11 : memref<!tpu.dma_semaphore, #tpu.memory_space<semaphore_mem>>)
    }
    %scan3A_13 = arith.constant 16 : i32
    %add3A_14 = arith.constant 992 : i32
    %add3A_15 = arith.addi %mul3A_2, %add3A_14 : i32
    %dma_wait3A = arith.constant 0 : i32
    %dma_wait3A_16 = tpu.memref_slice %arg4[%add3A_15, %dma_wait3A] : memref<32768x1024xf32, #tpu.memory_space<hbm>> -> memref<32x1024xf32, #tpu.memory_space<hbm>>
    %dma_wait3A_17 = arith.constant 0 : i32
    %dma_wait3A_18 = tpu.memref_slice %arg4[%add3A_15, %dma_wait3A_17] : memref<32768x1024xf32, #tpu.memory_space<hbm>> -> memref<32x1024xf32, #tpu.memory_space<hbm>>
    tpu.wait_dma2 semaphore(%arg11 : memref<!tpu.dma_semaphore, #tpu.memory_space<semaphore_mem>>) src(%arg7 : memref<32x1024xf32, #tpu.memory_space<vmem>>) dst(%dma_wait3A_18 : memref<32x1024xf32, #tpu.memory_space<hbm>>)
    return
  }
}

</mosaic_0001>

<sc_bundles>
// kernel: kernel.3.cloned.1.call-start
scs
__scs_entry_jumppad:
0x0: {  	(pc) =	sbr.rel $0x88, $3  }
0x1: {  	(tag) =	ssettag $0x0;
	lr =	simm.s32 $0x1  }
0x2: {  	[smem:$0x3F9F] =	sst lr;
	_ =	strace $0xD0000000  }
0x3: {  	_ = 	snop  }
0x4: {  	_ = 	snop  }
0x5: {  	_ = 	snop  }
0x6: {  	_ = 	snop  }
0x7: {  	_ = 	snop  }
__scs_overlays_trampoline_lowered:
0x8: {  	[smem:$0x3FAE] =	sst s0  }
0x9: {  	[smem:$0x3FAF] =	sst s1  }
0xa: {  	[smem:$0x3FB0] =	sst s2  }
0xb: {  	[smem:$0x3FB1] =	sst s3  }
0xc: {  	[smem:$0x3FB2] =	sst s4  }
0xd: {  	[smem:$0x3FB3] =	sst s5  }
0xe: {  	[smem:$0x3FB4] =	sst s6  }
0xf: {  	[smem:$0x3FB5] =	sst s7  }
0x10: {  	[smem:$0x3FB6] =	sst s8  }
0x11: {  	[smem:$0x3FB7] =	sst s9;
	s0 =	simm.s32 @!p0 $0x0  }
0x12: {  	s1 =	sld [smem:$0x3F9D];
	s0 =	simm.s32 @p0 $0x1  }
0x13: {  	[smem:$0x3FB8] =	sst s0;
	s0 =	simm.s32 @!p1 $0x0  }
0x14: {  	s2 =	sld [smem:$0x3F9C];
	s0 =	simm.s32 @p1 $0x1  }
0x15: {  	[smem:$0x3FB9] =	sst s0;
	s0 =	simm.s32 @!p2 $0x0  }
0x16: {  	s3 =	sld [smem:$0x3FDB];
	s0 =	simm.s32 @p2 $0x1  }
0x17: {  	s4 =	simm.s32 $0x1BF5;
	[smem:$0x3FBB] =	sst s0  }
0x18: {  	s0 =	sld [smem:$0x3F9E];
	_ =	swait.ge [sflag:s4], $0x0  }
0x19: {  	s7 =	sld [smem:$0x3F9F]  }
0x1a: {  	s8 =	sadd.s32 $0xFFFFE003, lr  }
0x1b: {  	s9 =	sadd.s32 $0xFFFFFEF7, lr;
	s5 =	simm.s32 $0xFFFFFFFF;
	p2 =	slt.u32 s8, $0xFFFFF086  }
0x1c: {  	p1 =	slt.u32 s9, $0xF7A;
	s5 =	simm.s32 @!p2 $0x0  }
0x1d: {  	s5 =	simm.s32 @p1 $0x1;
	p0 =	seq.s32 s7, s2  }
0x1e: {  	s7 =	smul.u32 @!p0 $0xF7A, s2;
	p2 =	seq.s32 @!p0 s5, $0x0  }
0x1f: {  	s9 =	smul.u32 $0xF7A, s1;
	s8 =	simm.s32 @!p0 $0x1BF5;
	p2 =	por !p2, p0  }
0x20: {  	[sflag:s8] =	ssyncset.s32 @!p0 $0xFFFFF086;
	s6 =	sadd.s32 @!p0 s3, s7;
	s7 =	simm.s32 @!p0 $0x108  }
0x21: {  	s3 =	sadd.s32 s3, s9;
	s6 =	sadd.s32 @!p0 $0x88, s6;
	s7 =	simm.s32 @p2 $0x1082  }
0x22: {  	[simem:s7], [sflag:s8] =	dma.local @!p0 [hbm:s6], $0xF7A  }
0x23: {  	s9 =	sor.u32 $0xD0000000, s2;
	s6 =	simm.s32 $0x108;
	_ =	swait.ge @!p0 [sflag:s8], $0x0  }
0x24: {  	s3 =	sadd.s32 $0x88, s3;
	s6 =	simm.s32 @!p1 $0x1082;
	[sflag:s4] =	ssyncset.s32 $0xFFFFF086  }
0x25: {  	[simem:s6], [sflag:s4] =	dma.local [hbm:s3], $0xF7A  }
0x26: {  	[smem:$0x3F9F] =	sst s1;
	(tag) =	ssettag s2;
	_ =	strace s9  }
0x27: {  	s1 =	sld [smem:$0x3FAF]  }
0x28: {  	s2 =	sld [smem:$0x3FB0]  }
0x29: {  	s4 =	sld [smem:$0x3FB2]  }
0x2a: {  	p0 =	seq.s32 s5, $0x0;
	s5 =	sld [smem:$0x3FB3]  }
0x2b: {  	s6 =	sld [smem:$0x3FB4]  }
0x2c: {  	s7 =	sld [smem:$0x3FB5]  }
0x2d: {  	s3 =	simm.s32 $0x108;
	s8 =	sld [smem:$0x3FB6]  }
0x2e: {  	s3 =	simm.s32 @!p0 $0x1082;
	s9 =	sld [smem:$0x3FB7]  }
0x2f: {  	lr =	sadd.s32 s0, s3;
	s0 =	sld [smem:$0x3FAE]  }
0x30: {  	s3 =	sld [smem:$0x3FB1]  }
0x31: {  	[smem:$0x3FBA] =	sst s10  }
0x32: {  	s10 =	sld [smem:$0x3FB8];
	_ =	sdelay $0x3  }
0x33: {  	p0 =	seq.s32 s10, $0x1;
	s10 =	sld [smem:$0x3FBA];
	_ =	sdelay $0x3  }
0x34: {  	[smem:$0x3FBA] =	sst s10  }
0x35: {  	s10 =	sld [smem:$0x3FB9];
	_ =	sdelay $0x3  }
0x36: {  	p1 =	seq.s32 s10, $0x1;
	s10 =	sld [smem:$0x3FBA];
	_ =	sdelay $0x3  }
0x37: {  	[smem:$0x3FBA] =	sst s10  }
0x38: {  	s10 =	sld [smem:$0x3FBB]  }
0x39: {  	_ = 	snop;
	(pc) =	sbr.ind lr, $3  }
0x3a: {  	_ = 	snop  }
0x3b: {  	_ = 	snop  }
0x3c: {  	p2 =	seq.s32 s10, $0x1;
	s10 =	sld [smem:$0x3FBA]  }
0x3d: {  	_ =	shalt  }
0x3e: {  	_ =	shalt  }
0x3f: {  	_ =	shalt  }
0x40: {  	_ =	shalt  }
0x41: {  	_ =	shalt  }
0x42: {  	_ =	shalt  }
0x43: {  	_ =	shalt  }
0x44: {  	_ =	shalt  }
0x45: {  	_ =	shalt  }
0x46: {  	_ =	shalt  }
0x47: {  	_ =	shalt  }
0x48: {  	_ =	shalt  }
0x49: {  	_ =	shalt  }
0x4a: {  	_ =	shalt  }
0x4b: {  	_ =	shalt  }
0x4c: {  	_ =	shalt  }
0x4d: {  	_ =	shalt  }
0x4e: {  	_ =	shalt  }
0x4f: {  	_ =	shalt  }
0x50: {  	_ =	shalt  }
0x51: {  	_ =	shalt  }
0x52: {  	_ =	shalt  }
0x53: {  	_ =	shalt  }
0x54: {  	_ =	shalt  }
0x55: {  	_ =	shalt  }
0x56: {  	_ =	shalt  }
0x57: {  	_ =	shalt  }
0x58: {  	_ =	shalt  }
0x59: {  	_ =	shalt  }
0x5a: {  	_ =	shalt  }
0x5b: {  	_ =	shalt  }
0x5c: {  	_ =	shalt  }
0x5d: {  	_ =	shalt  }
0x5e: {  	_ =	shalt  }
0x5f: {  	_ =	shalt  }
0x60: {  	_ =	shalt  }
0x61: {  	_ =	shalt  }
0x62: {  	_ =	shalt  }
0x63: {  	_ =	shalt  }
0x64: {  	_ =	shalt  }
0x65: {  	_ =	shalt  }
0x66: {  	_ =	shalt  }
0x67: {  	_ =	shalt  }
0x68: {  	_ =	shalt  }
0x69: {  	_ =	shalt  }
0x6a: {  	_ =	shalt  }
0x6b: {  	_ =	shalt  }
0x6c: {  	_ =	shalt  }
0x6d: {  	_ =	shalt  }
0x6e: {  	_ =	shalt  }
0x6f: {  	_ =	shalt  }
0x70: {  	_ =	shalt  }
0x71: {  	_ =	shalt  }
0x72: {  	_ =	shalt  }
0x73: {  	_ =	shalt  }
0x74: {  	_ =	shalt  }
0x75: {  	_ =	shalt  }
0x76: {  	_ =	shalt  }
0x77: {  	_ =	shalt  }
0x78: {  	_ =	shalt  }
0x79: {  	_ =	shalt  }
0x7a: {  	_ =	shalt  }
0x7b: {  	_ =	shalt  }
0x7c: {  	_ =	shalt  }
0x7d: {  	_ =	shalt  }
0x7e: {  	_ =	shalt  }
0x7f: {  	_ =	shalt  }
0x80: {  	_ =	shalt  }
0x81: {  	_ =	shalt  }
0x82: {  	_ =	shalt  }
0x83: {  	_ =	shalt  }
0x84: {  	_ =	shalt  }
0x85: {  	_ =	shalt  }
0x86: {  	_ =	shalt  }
0x87: {  	_ =	shalt  }
.Lfunc_end0:
.L_simem_size_0:
called_computation_lowered:
.L_overlay_start_0:
0x88: {  	s2 =	sld [smem:$0x3FD9]  }
0x89: {  	s3 =	sld [smem:$0x3FFE];
	_ =	sdelay $0x1  }
0x8a: {  	s1 =	srdreg.scid  }
0x8b: {  	s0 =	sand.u32 $0x1, s1  }
0x8c: {  	s17 =	sshll.u32 s0, $0xA;
	s2 =	sadd.s32 s3, s2  }
0x8d: {  	s2 =	sadd.s32 s2, s17  }
0x8e: {  	[smem:$0x3FC6] =	sst s2  }
0x8f: {  	_ = 	snop  }
0x90: {  	s2 =	sld [smem:$0x3FC9]  }
0x91: {  	s18 =	sld [smem:$0x3FD0];
	(tm) =	ssettm $0x1  }
0x92: {  	s4 =	sld [smem:$0x3FFB];
	_ =	sdelay $0x3  }
0x93: {  	_ =	strace s4  }
0x94: {  	s4 =	sld [smem:$0x3FFC];
	_ =	sdelay $0x3  }
0x95: {  	_ =	strace s4  }
0x96: {  	s4 =	sld [smem:$0x3FFD];
	_ =	sdelay $0x3  }
0x97: {  	_ =	strace s4  }
0x98: {  	_ =	strace $0x8FFFFFFF  }
0x99: {  	s19 =	sld [smem:$0x3FDB];
	_ =	sdelay $0x1  }
0x9a: {  	s5 =	simm.s32 $_scs_section_size  }
0x9b: {  	s6 =	simm.s32 $_size__tile_overlayer_lowered;
	s7 =	simm.s32 $_tile_overlayer_lowered  }
0x9c: {  	s22 =	simm.s32 $0x1BFF;
	s21 =	sshll.u32 s7, $0x1;
	s4 =	sadd.s32 s5, s19  }
0x9d: {  	s8 =	simm.s32 $0x0;
	s20 =	sshll.u32 s6, $0x1;
	s6 =	sadd.s32 s21, s4  }
0x9e: {  	[timem:s8], [sflag:s22] =	dma.local [hbm:s6], s20  }
0x9f: {  	_ =	swait.ge [sflag:s22], s20  }
0xa0: {  	s5 =	ssub.s32 $0x0, s20;
	[sflag:s22] =	ssyncset.done $0x0  }
0xa1: {  	[sflag:s22] =	ssyncadd.s32 s5;
	_ =	sdelay $0x1  }
0xa2: {  	s23 =	simm.s32 $0x1B8B  }
0xa3: {  	_ =	swait.ge [sflag:s23], $0x1  }
0xa4: {  	[sflag:s23] =	ssyncset.done $0x0  }
0xa5: {  	s25 =	simm.s32 $0x1B8E;
	s24 =	sld [smem:$0x3FFE];
	[sflag:s23] =	ssyncadd.s32 $0xFFFFFFFF  }
0xa6: {  	s26 =	simm.s32 $execute0_lowered;
	[smem:$0x3FD2] =	sst s25  }
0xa7: {  	s6 =	sshll.u32 s26, $0x1;
	_ =	strace $0x80000046;
	[dreg:$0x1] =	wrdreg $0xFFFFFFFF  }
0xa8: {  	s28 =	simm.s32 $_size_execute0_lowered;
	s4 =	sadd.s32 s4, s6;
	[dreg:$0x0] =	wrdreg $0x0  }
0xa9: {  	s6 =	sshll.u32 s28, $0x1;
	[dreg:$0x2] =	wrdreg s4  }
0xaa: {  	[dreg:$0x3] =	wrdreg s6  }
0xab: {  	[dreg:$0x4] =	wrdreg $0xC0  }
0xac: {  	_ =	task [dreg:s8], $0x5FFFF  }
0xad: {  	[dreg:$0x1] =	wrdreg $0xFFFFFFFF  }
0xae: {  	[dreg:$0x0] =	wrdreg $0x60  }
0xaf: {  	[dreg:$0x2] =	wrdreg s2  }
0xb0: {  	[dreg:$0x3] =	wrdreg s24  }
0xb1: {  	[dreg:$0x4] =	wrdreg s18  }
0xb2: {  	[dreg:$0x5] =	wrdreg $0x9  }
0xb3: {  	_ =	task.clear_ibuf [dreg:s8], $0x6FFFF;
	_ =	strace $0x90000046  }
0xb4: {  	s29 =	simm.s32 $0x9;
	_ =	strace $0x80000048  }
0xb5: {  	_ =	swait.ge [sflag:s29], $0x1  }
0xb6: {  	[sflag:s29] =	ssyncadd.s32 $0xFFFFFFFF  }
0xb7: {  	_ =	strace $0x90000048  }
0xb8: {  	_ =	sfence  }
0xb9: {  	s30 =	sld [smem:$0x0];
	_ =	sdelay $0x2  }
0xba: {  	s31 =	sshll.u32 s1, $0xD;
	s1 =	sshrl.u32 s1, $0x2  }
0xbb: {  	s3 =	sand.u32 $0x4000, s31;
	s1 =	sadd.s32 s1, s30  }
0xbc: {  	s0 =	sor.u32 s3, s0;
	s1 =	sshll.u32 s1, $0x11  }
0xbd: {  	s0 =	sor.u32 s1, s0  }
0xbe: {  	s0 =	sadd.s32 $0x8F2B, s0  }
0xbf: {  	[sflag:s0] =	ssyncadd.remote.s32 $0x1  }
0xc0: {  	_ =	sfence.sel $0xFFFF  }
0xc1: {  	[dreg:$0x0] =	wrdreg $0xFFFFFFFF;
	(pc) =	sbr.abs _section_cstart, $3  }
0xc2: {  	[dreg:$0x1] =	wrdreg $0xFFFFFFFF  }
0xc3: {  	_ =	task.clear_ibuf [dreg:s8], $0x2FFFF;
	_ =	strace $0x9FFFFFFF  }
0xc4: {  	(tm) =	ssettm $0x7FFFFFFF  }
0xc5: {  	_ =	shalt  }
tec
execute0_lowered:
.L_overlay_start_1:
0x0: {  	(tag) =	ssettag $0x1  }
0x1: {  	s1 =	rddreg [dreg:$0x0]  }
0x2: {  	s0 =	srdreg.scid;
	s2 =	rddreg [dreg:$0x1]  }
0x3: {  	s7 =	stileid.u32;
	s6 =	rddreg [dreg:$0x2];
	s3 =	simm.s32 $0x0  }
0x4: {  	s12 =	simm.s32 $0x8C00;
	s13 =	simm.s32 $0x9400;
	s14 =	simm.s32 $0x9C00  }
0x5: {  	s15 =	simm.s32 $0xA400;
	s16 =	simm.s32 $0xAC00;
	[smem:$0x7FF] =	sst s3  }
0x6: {  	s17 =	simm.s32 $0xB400;
	_ =	strace $0x80000047;
	[dreg:$0x5] =	wrdreg s12  }
0x7: {  	s18 =	simm.s32 $0xBC00;
	s19 =	simm.s32 $0xC400;
	[dreg:$0x6] =	wrdreg s13  }
0x8: {  	s20 =	simm.s32 $0xCC00;
	s21 =	simm.s32 $0xD400;
	[dreg:$0x7] =	wrdreg s14  }
0x9: {  	s22 =	simm.s32 $0xDC00;
	s23 =	simm.s32 $0xE400;
	[dreg:$0x8] =	wrdreg s15  }
0xa: {  	s24 =	simm.s32 $0xEC00;
	s25 =	simm.s32 $0xF400;
	[dreg:$0x9] =	wrdreg s16  }
0xb: {  	s26 =	simm.s32 $0xFC00;
	s28 =	simm.s32 $0x20;
	[dreg:$0xa] =	wrdreg s17  }
0xc: {  	s29 =	simm.s32 $0x8400;
	s30 =	simm.s32 $0x1;
	[dreg:$0xb] =	wrdreg s18  }
0xd: {  	s31 =	simm.s32 $0x3;
	s0 =	sand.u32 $0x1, s0;
	[dreg:$0xc] =	wrdreg s19  }
0xe: {  	s4 =	sshll.u32 s7, $0xB;
	s7 =	sshll.u32 s7, $0x12;
	[dreg:$0xd] =	wrdreg s20  }
0xf: {  	s5 =	sshll.u32 s0, $0xA;
	s10 =	ssub.s32 $0x2, s0;
	[dreg:$0xe] =	wrdreg s21  }
0x10: {  	s8 =	sadd.s32 s7, s6;
	s0 =	sshll.u32 s0, $0x11;
	[dreg:$0xf] =	wrdreg s22  }
0x11: {  	s6 =	sadd.s32 $0x200, s1;
	s7 =	sadd.s32 $0x300, s1;
	[dreg:$0x10] =	wrdreg s23  }
0x12: {  	s19 =	simm.s32 $0x4400;
	s20 =	simm.s32 $0x4C00;
	[dreg:$0x11] =	wrdreg s24  }
0x13: {  	s21 =	simm.s32 $0x5400;
	s22 =	simm.s32 $0x5C00;
	[dreg:$0x12] =	wrdreg s25  }
0x14: {  	s23 =	simm.s32 $0x6400;
	s24 =	simm.s32 $0x6C00;
	[dreg:$0x13] =	wrdreg s26  }
0x15: {  	s25 =	simm.s32 $0x7400;
	s26 =	simm.s32 $0x7C00;
	s12 =	simm.s32 $0x0  }
0x16: {  	s4 =	sor.u32 s5, s4;
	s11 =	sshrl.u32 s10, $0x1;
	s5 =	sadd.s32 $0x100, s1  }
0x17: {  	s0 =	sadd.s32 s0, s8;
	s4 =	sshrl.u32 s4, $0x3;
	s9 =	ssub.s32 s10, s11  }
0x18: {  	v2 =	vlaneseq.u32;
	[dreg:$0x4] =	wrdreg s0;
	s10 =	simm.s32 $0x5;
	s11 =	simm.s32 $0x400  }
0x19: {  	vm0 =	vmmov $0xffff;
	v1 =	vshrl.u32 v2, $0x3;
	s0 =	simm.s32 $0x4;
	s2 =	sadd.s32 s4, s2;
	s9 =	smax.u32 s9, $0x1  }
0x1a: {  	v0 =	vand.u32 $0x7, v2;
	v2 =	vor.u32 $0x8, v2;
	v1 =	vmul.u32 $0x8, v1;
	s4 =	sadd.s32 $0x400, s2;
	s8 =	sadd.s32 $0x404, s2;
	s2 =	simm.s32 $0x2  }
.LBB2_1:
0x1b: {  	[tilespmem:s3], [sflag:$0x5] =	stream.linear.gather [hbm4b:s4+s3], $0x20, $0x38;
	[tilespmem:$0x10400] =	vst v63  }
0x1c: {  	_ =	swait.ge [sflag:s10], $0x20  }
0x1d: {  	[sflag:s10] =	ssyncset.done $0x0  }
0x1e: {  	[sflag:s10] =	ssyncadd.s32 $0xFFFFFFE0  }
0x1f: {  	v3 =	vld [tilespmem:$0x0];
	_ =	sdelay $0x4  }
0x20: {  	v4 =	vshll.u32 v3, $0x3  }
0x21: {  	v3 =	vand.u32 $0x7, v3;
	v4 =	vand.u32 $0xFFFFFFC0, v4  }
0x22: {  	v3 =	vor.u32 v3, v4  }
0x23: {  	v4 =	vperm.xlane v3, v0;
	_ =	sdelay $0x1  }
0x24: {  	v4 =	vadd.s32 v1, v4;
	_ =	sdelay $0x4  }
0x25: {  	[tilespmem:s11], [sflag:$0x1] =	stream.indirect_vreg.gather [hbm4b:s1+s3], $0x80, v4, vm0, $0xb8;
	[tilespmem:$0x10400] =	vst v63  }
0x26: {  	s13 =	simm.s32 $0xC00;
	v3 =	vperm.xlane v3, v2  }
0x27: {  	[tilespmem:s13], [sflag:$0x1] =	stream.indirect_vreg.gather [hbm4b:s5+s3], $0x80, v4, vm0, $0xb8;
	[tilespmem:$0x10400] =	vst v63  }
0x28: {  	s18 =	simm.s32 $0x1400;
	v3 =	vadd.s32 v1, v3  }
0x29: {  	[tilespmem:s18], [sflag:$0x1] =	stream.indirect_vreg.gather [hbm4b:s6+s3], $0x80, v4, vm0, $0xb8;
	[tilespmem:$0x10400] =	vst v63  }
0x2a: {  	s14 =	simm.s32 $0x1C00  }
0x2b: {  	[tilespmem:s14], [sflag:$0x1] =	stream.indirect_vreg.gather [hbm4b:s7+s3], $0x80, v4, vm0, $0xb8;
	[tilespmem:$0x10400] =	vst v63  }
0x2c: {  	s15 =	simm.s32 $0x2400  }
0x2d: {  	[tilespmem:s15], [sflag:$0x1] =	stream.indirect_vreg.gather [hbm4b:s1+s3], $0x80, v3, vm0, $0xb8;
	[tilespmem:$0x10400] =	vst v63  }
0x2e: {  	s16 =	simm.s32 $0x2C00  }
0x2f: {  	[tilespmem:s16], [sflag:$0x1] =	stream.indirect_vreg.gather [hbm4b:s5+s3], $0x80, v3, vm0, $0xb8;
	[tilespmem:$0x10400] =	vst v63  }
0x30: {  	s17 =	simm.s32 $0x3400  }
0x31: {  	[tilespmem:s17], [sflag:$0x1] =	stream.indirect_vreg.gather [hbm4b:s6+s3], $0x80, v3, vm0, $0xb8;
	[tilespmem:$0x10400] =	vst v63  }
0x32: {  	s18 =	simm.s32 $0x3C00  }
0x33: {  	[tilespmem:s18], [sflag:$0x1] =	stream.indirect_vreg.gather [hbm4b:s7+s3], $0x80, v3, vm0, $0xb8;
	[tilespmem:$0x10400] =	vst v63  }
0x34: {  	v3 =	vld [tilespmem:$0x10];
	_ =	sdelay $0x4  }
0x35: {  	v63 =	vshll.u32 v3, $0x3  }
0x36: {  	v3 =	vand.u32 $0x7, v3;
	v4 =	vand.u32 $0xFFFFFFC0, v63  }
0x37: {  	v3 =	vor.u32 v3, v4  }
0x38: {  	v4 =	vperm.xlane v3, v0;
	_ =	sdelay $0x1  }
0x39: {  	v4 =	vadd.s32 v1, v4;
	_ =	sdelay $0x4  }
0x3a: {  	[tilespmem:s19], [sflag:$0x1] =	stream.indirect_vreg.gather [hbm4b:s1+s3], $0x80, v4, vm0, $0xb8;
	[tilespmem:$0x10400] =	vst v63  }
0x3b: {  	v3 =	vperm.xlane v3, v2  }
0x3c: {  	[tilespmem:s20], [sflag:$0x1] =	stream.indirect_vreg.gather [hbm4b:s5+s3], $0x80, v4, vm0, $0xb8;
	[tilespmem:$0x10400] =	vst v63  }
0x3d: {  	v3 =	vadd.s32 v1, v3  }
0x3e: {  	[tilespmem:s21], [sflag:$0x1] =	stream.indirect_vreg.gather [hbm4b:s6+s3], $0x80, v4, vm0, $0xb8;
	[tilespmem:$0x10400] =	vst v63  }
0x3f: {  	_ = 	snop  }
0x40: {  	[tilespmem:s22], [sflag:$0x1] =	stream.indirect_vreg.gather [hbm4b:s7+s3], $0x80, v4, vm0, $0xb8;
	[tilespmem:$0x10400] =	vst v63  }
0x41: {  	_ = 	snop  }
0x42: {  	[tilespmem:s23], [sflag:$0x1] =	stream.indirect_vreg.gather [hbm4b:s1+s3], $0x80, v3, vm0, $0xb8;
	[tilespmem:$0x10400] =	vst v63  }
0x43: {  	_ = 	snop  }
0x44: {  	[tilespmem:s24], [sflag:$0x1] =	stream.indirect_vreg.gather [hbm4b:s5+s3], $0x80, v3, vm0, $0xb8;
	[tilespmem:$0x10400] =	vst v63  }
0x45: {  	_ = 	snop  }
0x46: {  	[tilespmem:s25], [sflag:$0x1] =	stream.indirect_vreg.gather [hbm4b:s6+s3], $0x80, v3, vm0, $0xb8;
	[tilespmem:$0x10400] =	vst v63  }
0x47: {  	_ = 	snop  }
0x48: {  	[tilespmem:s26], [sflag:$0x1] =	stream.indirect_vreg.gather [hbm4b:s7+s3], $0x80, v3, vm0, $0xb8;
	[tilespmem:$0x10400] =	vst v63  }
0x49: {  	_ = 	snop  }
0x4a: {  	[tilespmem:s28], [sflag:$0x5] =	stream.linear.gather [hbm4b:s8+s3], $0x3E0, $0x38;
	[tilespmem:$0x10400] =	vst v63  }
0x4b: {  	_ =	swait.ge [sflag:s10], $0x3E0  }
0x4c: {  	s13 =	simm.s32 $0x30;
	[sflag:s10] =	ssyncset.done $0x0  }
0x4d: {  	s14 =	simm.s32 $0x1;
	s15 =	simm.s32 $0x0;
	[sflag:s10] =	ssyncadd.s32 $0xFFFFFC20  }
.LBB2_2:
0x4e: {  	p0 =	seq.s32 s15, $0x0  }
0x4f: {  	s16 =	simm.s32 @!p0 $0x4  }
0x50: {  	_ =	swait.ge @!p0 [sflag:s16], $0x8000  }
0x51: {  	[sflag:s16] =	ssyncset.done @!p0 $0x0  }
0x52: {  	[sflag:s16] =	ssyncadd.s32 @!p0 $0xFFFF8000  }
0x53: {  	v3 =	vld [tilespmem:s13+$0xFFFFFFF0];
	_ =	sdelay $0x4  }
0x54: {  	v4 =	vshll.u32 v3, $0x3  }
0x55: {  	v3 =	vand.u32 $0x7, v3;
	v4 =	vand.u32 $0xFFFFFFC0, v4  }
0x56: {  	v3 =	vor.u32 v3, v4  }
0x57: {  	v4 =	vperm.xlane v3, v0;
	_ =	sdelay $0x1  }
0x58: {  	v4 =	vadd.s32 v1, v4;
	_ =	sdelay $0x4  }
0x59: {  	[tilespmem:s29], [sflag:$0x2] =	stream.indirect_vreg.gather [hbm4b:s1+s3], $0x80, v4, vm0, $0xb8;
	[tilespmem:$0x10400] =	vst v63  }
0x5a: {  	s18 =	rddreg [dreg:$0x5];
	v3 =	vperm.xlane v3, v2  }
0x5b: {  	[tilespmem:s18], [sflag:$0x2] =	stream.indirect_vreg.gather [hbm4b:s5+s3], $0x80, v4, vm0, $0xb8;
	[tilespmem:$0x10400] =	vst v63  }
0x5c: {  	s17 =	rddreg [dreg:$0x6];
	v3 =	vadd.s32 v1, v3  }
0x5d: {  	[tilespmem:s17], [sflag:$0x2] =	stream.indirect_vreg.gather [hbm4b:s6+s3], $0x80, v4, vm0, $0xb8;
	[tilespmem:$0x10400] =	vst v63  }
0x5e: {  	s18 =	rddreg [dreg:$0x7]  }
0x5f: {  	[tilespmem:s18], [sflag:$0x2] =	stream.indirect_vreg.gather [hbm4b:s7+s3], $0x80, v4, vm0, $0xb8;
	[tilespmem:$0x10400] =	vst v63  }
0x60: {  	s17 =	rddreg [dreg:$0x8]  }
0x61: {  	[tilespmem:s17], [sflag:$0x2] =	stream.indirect_vreg.gather [hbm4b:s1+s3], $0x80, v3, vm0, $0xb8;
	[tilespmem:$0x10400] =	vst v63  }
0x62: {  	s18 =	rddreg [dreg:$0x9]  }
0x63: {  	[tilespmem:s18], [sflag:$0x2] =	stream.indirect_vreg.gather [hbm4b:s5+s3], $0x80, v3, vm0, $0xb8;
	[tilespmem:$0x10400] =	vst v63  }
0x64: {  	s17 =	rddreg [dreg:$0xa]  }
0x65: {  	[tilespmem:s17], [sflag:$0x2] =	stream.indirect_vreg.gather [hbm4b:s6+s3], $0x80, v3, vm0, $0xb8;
	[tilespmem:$0x10400] =	vst v63  }
0x66: {  	s18 =	rddreg [dreg:$0xb]  }
0x67: {  	[tilespmem:s18], [sflag:$0x2] =	stream.indirect_vreg.gather [hbm4b:s7+s3], $0x80, v3, vm0, $0xb8;
	[tilespmem:$0x10400] =	vst v63  }
0x68: {  	v3 =	vld [tilespmem:s13+$0x0];
	_ =	sdelay $0x4  }
0x69: {  	v63 =	vshll.u32 v3, $0x3  }
0x6a: {  	v3 =	vand.u32 $0x7, v3;
	v4 =	vand.u32 $0xFFFFFFC0, v63  }
0x6b: {  	v3 =	vor.u32 v3, v4  }
0x6c: {  	v4 =	vperm.xlane v3, v0;
	_ =	sdelay $0x1  }
0x6d: {  	v4 =	vadd.s32 v1, v4;
	_ =	sdelay $0x3  }
0x6e: {  	s17 =	rddreg [dreg:$0xc]  }
0x6f: {  	[tilespmem:s17], [sflag:$0x2] =	stream.indirect_vreg.gather [hbm4b:s1+s3], $0x80, v4, vm0, $0xb8;
	[tilespmem:$0x10400] =	vst v63  }
0x70: {  	s18 =	rddreg [dreg:$0xd];
	v3 =	vperm.xlane v3, v2  }
0x71: {  	[tilespmem:s18], [sflag:$0x2] =	stream.indirect_vreg.gather [hbm4b:s5+s3], $0x80, v4, vm0, $0xb8;
	[tilespmem:$0x10400] =	vst v63  }
0x72: {  	s16 =	rddreg [dreg:$0xe];
	v3 =	vadd.s32 v1, v3  }
0x73: {  	[tilespmem:s16], [sflag:$0x2] =	stream.indirect_vreg.gather [hbm4b:s6+s3], $0x80, v4, vm0, $0xb8;
	[tilespmem:$0x10400] =	vst v63  }
0x74: {  	s18 =	rddreg [dreg:$0xf]  }
0x75: {  	[tilespmem:s18], [sflag:$0x2] =	stream.indirect_vreg.gather [hbm4b:s7+s3], $0x80, v4, vm0, $0xb8;
	[tilespmem:$0x10400] =	vst v63  }
0x76: {  	s16 =	rddreg [dreg:$0x10]  }
0x77: {  	[tilespmem:s16], [sflag:$0x2] =	stream.indirect_vreg.gather [hbm4b:s1+s3], $0x80, v3, vm0, $0xb8;
	[tilespmem:$0x10400] =	vst v63  }
0x78: {  	s18 =	rddreg [dreg:$0x11]  }
0x79: {  	[tilespmem:s18], [sflag:$0x2] =	stream.indirect_vreg.gather [hbm4b:s5+s3], $0x80, v3, vm0, $0xb8;
	[tilespmem:$0x10400] =	vst v63  }
0x7a: {  	s16 =	rddreg [dreg:$0x12]  }
0x7b: {  	[tilespmem:s16], [sflag:$0x2] =	stream.indirect_vreg.gather [hbm4b:s6+s3], $0x80, v3, vm0, $0xb8;
	[tilespmem:$0x10400] =	vst v63  }
0x7c: {  	s18 =	rddreg [dreg:$0x13]  }
0x7d: {  	[tilespmem:s18], [sflag:$0x2] =	stream.indirect_vreg.gather [hbm4b:s7+s3], $0x80, v3, vm0, $0xb8;
	[tilespmem:$0x10400] =	vst v63  }
0x7e: {  	_ =	swait.ge [sflag:s30], $0x8000  }
0x7f: {  	s18 =	rddreg [dreg:$0x4];
	[sflag:s30] =	ssyncset.done $0x0  }
0x80: {  	[sflag:s30] =	ssyncadd.s32 $0xFFFF8000;
	s16 =	sadd.s32 s15, s18  }
0x81: {  	[hbm4b:s16+s3] =	stream.linear.scatter [tilespmem:s11], [sflag:$0x3], $0x8000, $0x38;
	[tilespmem:$0x10400] =	vst v63  }
0x82: {  	_ =	swait.ge [sflag:s31], $0x8000  }
0x83: {  	[sflag:s31] =	ssyncset.done $0x0  }
0x84: {  	p0 =	sgt.u32 s14, $0x1E;
	[sflag:s31] =	ssyncadd.s32 $0xFFFF8000  }
0x85: {  	v3 =	vld @!p0 [tilespmem:s13+$0x10];
	_ =	sdelay $0x4  }
0x86: {  	v4 =	vshll.u32 @!p0 v3, $0x3  }
0x87: {  	v5 =	vlaneseq.u32 @!p0;
	v3 =	vand.u32 @!p0 $0x7, v3;
	v4 =	vand.u32 @!p0 $0xFFFFFFC0, v4  }
0x88: {  	v6 =	vshrl.u32 @!p0 v5, $0x3;
	v3 =	vor.u32 @!p0 v3, v4;
	v4 =	vand.u32 @!p0 $0x7, v5  }
0x89: {  	v6 =	vmul.u32 @!p0 $0x8, v6;
	v7 =	vperm.xlane @!p0 v3, v4;
	_ =	sdelay $0x1  }
0x8a: {  	v7 =	vadd.s32 @!p0 v6, v7;
	_ =	sdelay $0x3  }
0x8b: {  	vm1 =	vmmov @!p0 $0xffff;
	s17 =	simm.s32 @!p0 $0x0;
	s18 =	simm.s32 @!p0 $0x400  }
0x8c: {  	v5 =	vor.u32 @!p0 $0x8, v5;
	[tilespmem:s18], [sflag:$0x1] =	stream.indirect_vreg.gather @!p0 [hbm4b:s1+s17], $0x80, v7, vm1, $0xb8;
	[tilespmem:$0x10400] =	vst v63  }
0x8d: {  	v3 =	vperm.xlane @!p0 v3, v5;
	s18 =	simm.s32 @!p0 $0xC00  }
0x8e: {  	[tilespmem:s18], [sflag:$0x1] =	stream.indirect_vreg.gather @!p0 [hbm4b:s5+s17], $0x80, v7, vm1, $0xb8;
	[tilespmem:$0x10400] =	vst v63  }
0x8f: {  	v3 =	vadd.s32 @!p0 v6, v3;
	s18 =	simm.s32 @!p0 $0x1400  }
0x90: {  	[tilespmem:s18], [sflag:$0x1] =	stream.indirect_vreg.gather @!p0 [hbm4b:s6+s17], $0x80, v7, vm1, $0xb8;
	[tilespmem:$0x10400] =	vst v63  }
0x91: {  	s18 =	simm.s32 @!p0 $0x1C00  }
0x92: {  	[tilespmem:s18], [sflag:$0x1] =	stream.indirect_vreg.gather @!p0 [hbm4b:s7+s17], $0x80, v7, vm1, $0xb8;
	[tilespmem:$0x10400] =	vst v63  }
0x93: {  	s18 =	simm.s32 @!p0 $0x2400  }
0x94: {  	[tilespmem:s18], [sflag:$0x1] =	stream.indirect_vreg.gather @!p0 [hbm4b:s1+s17], $0x80, v3, vm1, $0xb8;
	[tilespmem:$0x10400] =	vst v63  }
0x95: {  	s18 =	simm.s32 @!p0 $0x2C00  }
0x96: {  	[tilespmem:s18], [sflag:$0x1] =	stream.indirect_vreg.gather @!p0 [hbm4b:s5+s17], $0x80, v3, vm1, $0xb8;
	[tilespmem:$0x10400] =	vst v63  }
0x97: {  	s18 =	simm.s32 @!p0 $0x3400  }
0x98: {  	[tilespmem:s18], [sflag:$0x1] =	stream.indirect_vreg.gather @!p0 [hbm4b:s6+s17], $0x80, v3, vm1, $0xb8;
	[tilespmem:$0x10400] =	vst v63  }
0x99: {  	s18 =	simm.s32 @!p0 $0x3C00  }
0x9a: {  	[tilespmem:s18], [sflag:$0x1] =	stream.indirect_vreg.gather @!p0 [hbm4b:s7+s17], $0x80, v3, vm1, $0xb8;
	[tilespmem:$0x10400] =	vst v63  }
0x9b: {  	v3 =	vld @!p0 [tilespmem:s13+$0x20];
	_ =	sdelay $0x4  }
0x9c: {  	v7 =	vshll.u32 @!p0 v3, $0x3  }
0x9d: {  	v3 =	vand.u32 @!p0 $0x7, v3;
	v7 =	vand.u32 @!p0 $0xFFFFFFC0, v7  }
0x9e: {  	v3 =	vor.u32 @!p0 v3, v7  }
0x9f: {  	v4 =	vperm.xlane @!p0 v3, v4;
	_ =	sdelay $0x1  }
0xa0: {  	v4 =	vadd.s32 @!p0 v6, v4;
	_ =	sdelay $0x3  }
0xa1: {  	s18 =	simm.s32 @!p0 $0x4400  }
0xa2: {  	[tilespmem:s18], [sflag:$0x1] =	stream.indirect_vreg.gather @!p0 [hbm4b:s1+s17], $0x80, v4, vm1, $0xb8;
	[tilespmem:$0x10400] =	vst v63  }
0xa3: {  	v3 =	vperm.xlane @!p0 v3, v5;
	s18 =	simm.s32 @!p0 $0x4C00  }
0xa4: {  	[tilespmem:s18], [sflag:$0x1] =	stream.indirect_vreg.gather @!p0 [hbm4b:s5+s17], $0x80, v4, vm1, $0xb8;
	[tilespmem:$0x10400] =	vst v63  }
0xa5: {  	v3 =	vadd.s32 @!p0 v6, v3;
	s18 =	simm.s32 @!p0 $0x5400  }
0xa6: {  	[tilespmem:s18], [sflag:$0x1] =	stream.indirect_vreg.gather @!p0 [hbm4b:s6+s17], $0x80, v4, vm1, $0xb8;
	[tilespmem:$0x10400] =	vst v63  }
0xa7: {  	s18 =	simm.s32 @!p0 $0x5C00  }
0xa8: {  	[tilespmem:s18], [sflag:$0x1] =	stream.indirect_vreg.gather @!p0 [hbm4b:s7+s17], $0x80, v4, vm1, $0xb8;
	[tilespmem:$0x10400] =	vst v63  }
0xa9: {  	s18 =	simm.s32 @!p0 $0x6400  }
0xaa: {  	[tilespmem:s18], [sflag:$0x1] =	stream.indirect_vreg.gather @!p0 [hbm4b:s1+s17], $0x80, v3, vm1, $0xb8;
	[tilespmem:$0x10400] =	vst v63  }
0xab: {  	s18 =	simm.s32 @!p0 $0x6C00  }
0xac: {  	[tilespmem:s18], [sflag:$0x1] =	stream.indirect_vreg.gather @!p0 [hbm4b:s5+s17], $0x80, v3, vm1, $0xb8;
	[tilespmem:$0x10400] =	vst v63  }
0xad: {  	s18 =	simm.s32 @!p0 $0x7400  }
0xae: {  	[tilespmem:s18], [sflag:$0x1] =	stream.indirect_vreg.gather @!p0 [hbm4b:s6+s17], $0x80, v3, vm1, $0xb8;
	[tilespmem:$0x10400] =	vst v63  }
0xaf: {  	s15 =	sadd.s32 $0x2000, s15;
	s18 =	simm.s32 @!p0 $0x7C00  }
0xb0: {  	[tilespmem:s18], [sflag:$0x1] =	stream.indirect_vreg.gather @!p0 [hbm4b:s7+s17], $0x80, v3, vm1, $0xb8;
	[tilespmem:$0x10400] =	vst v63  }
0xb1: {  	p0 =	sne.s32 s15, $0x20000  }
.Ltmp0:
0xb2: {  	_ = 	snop;
	(pc) =	sbr.rel @p0 .LBB2_2-.Ltmp0, $4  }
0xb3: {  	_ =	swait.ge [sflag:s2], $0x8000  }
0xb4: {  	s14 =	sadd.s32 $0x2, s14;
	[sflag:s2] =	ssyncset.done $0x0  }
0xb5: {  	s16 =	sadd.s32 $0x1000, s16;
	s13 =	sadd.s32 $0x40, s13;
	[sflag:s2] =	ssyncadd.s32 $0xFFFF8000  }
0xb6: {  	[hbm4b:s16+s3] =	stream.linear.scatter [tilespmem:s29], [sflag:$0x4], $0x8000, $0x38;
	[tilespmem:$0x10400] =	vst v63  }
0xb7: {  	s12 =	sadd.s32 $0x1, s12  }
0xb8: {  	p0 =	sne.s32 s12, s9  }
.Ltmp1:
0xb9: {  	_ = 	snop;
	(pc) =	sbr.rel @p0 .LBB2_1-.Ltmp1, $4  }
0xba: {  	_ = 	snop  }
0xbb: {  	_ =	swait.ge [sflag:s0], $0x8000  }
0xbc: {  	[sflag:s0] =	ssyncset.done $0x0  }
0xbd: {  	[sflag:s0] =	ssyncadd.s32 $0xFFFF8000  }
0xbe: {  	_ =	sfence.sel $0x180000  }
0xbf: {  	[bflag:$0x0] =	sbarrier.arrive $0xFFFF  }
0xc0: {  	_ =	strace $0x90000047  }
0xc1: {  	s0 =	stileid.u32;
	[bflag:$0x2] =	sbarrier.arrive $0xFFFF  }
0xc2: {  	p0 =	sne.s32 s0, $0x0;
	s0 =	rddreg [dreg:$0x3]  }
0xc3: {  	s0 =	sadd.s32 @!p0 $0x100000, s0  }
0xc4: {  	[sflag:s0] =	ssyncadd.tile.s32 @!p0 $0x1;
	_ =	shalt  }
.Lfunc_end2:
_tile_overlayer_lowered:
.L_overlay_start_2:
0xc5: {  	(tag) =	ssettag $0x2  }
0xc6: {  	s0 =	rddreg [dreg:$0x0];
	s2 =	stileid.u32  }
0xc7: {  	s1 =	rddreg [dreg:$0x1];
	p0 =	sne.s32 s2, $0x0  }
0xc8: {  	s3 =	rddreg [dreg:$0x2];
	[bflag:$0x3] =	sbarrier.arrive $0xFFFF;
	s2 =	simm.s32 @!p0 $0x1C05  }
0xc9: {  	[timem:s3], [sflag:s2] =	dma.local @!p0 [hbm:s0], s1  }
0xca: {  	s0 =	simm.s32 @!p0 $0x5  }
0xcb: {  	_ =	swait.ge @!p0 [sflag:s0], s1  }
0xcc: {  	s1 =	ssub.s32 @!p0 $0x0, s1;
	[sflag:s0] =	ssyncset.done @!p0 $0x0  }
0xcd: {  	[sflag:s0] =	ssyncadd.s32 @!p0 s1  }
0xce: {  	[bflag:$0x3] =	sbarrier.arrive $0xFFFF  }
0xcf: {  	_ =	shalt  }

</sc_bundles>
